<compile_context>
chip_gen: v7x
topology: tpu7x:2x2x1
jax: 0.10.2.dev20260603
libtpu: 0.0.44.dev20260713+nightly
codegen_flags: <defaults>
</compile_context>

<pallas_src>
import functools
import jax
import jax.numpy as jnp
from jax import lax
from jax.experimental import pallas as pl
from jax.experimental.pallas import tpu as pltpu
from jax.experimental.pallas import tpu_sc as plsc

B, N, E = 8, 128, 512
IN_F, HID_F, OUT_F, MSG_F, BOND_F = 64, 128, 64, 64, 16
PAD = 128

NC, NS = 2, 16
NW = NC * NS
ROWS = B * E
RPW = ROWS // NW

_sc_mesh = plsc.VectorSubcoreMesh(
    core_axis_name="c", subcore_axis_name="s", num_cores=NC, num_subcores=NS)


def _leaky(x):
    return jnp.where(x >= 0, x, 0.01 * x)


@functools.partial(
    pl.kernel, mesh=_sc_mesh,
    out_type=(jax.ShapeDtypeStruct((ROWS, PAD), jnp.float32),
              jax.ShapeDtypeStruct((ROWS, PAD), jnp.float32)),
    scratch_types=[pltpu.VMEM((RPW,), jnp.int32),
                   pltpu.VMEM((RPW,), jnp.int32),
                   pltpu.VMEM((RPW, PAD), jnp.float32),
                   pltpu.VMEM((RPW, PAD), jnp.float32),
                   pltpu.SemaphoreType.DMA,
                   pltpu.SemaphoreType.DMA],
)
def _sc_gather(table_hbm, idx1_hbm, idx2_hbm, out_s, out_r,
               idx1_v, idx2_v, rows1_v, rows2_v, sem1, sem2):
    wid = lax.axis_index("s") * NC + lax.axis_index("c")
    r0 = wid * RPW
    b = r0 // E
    e0 = r0 % E
    boff = b * N
    l1 = pltpu.async_copy(idx1_hbm.at[pl.ds(e0, RPW)], idx1_v, sem1)
    l2 = pltpu.async_copy(idx2_hbm.at[pl.ds(e0, RPW)], idx2_v, sem2)
    l1.wait()
    l2.wait()
    for i in range(RPW // 16):
        sl = pl.ds(i * 16, 16)
        idx1_v[sl] = idx1_v[sl] + boff
        idx2_v[sl] = idx2_v[sl] + boff
    g1 = pltpu.async_copy(table_hbm.at[idx1_v], rows1_v, sem1)
    g2 = pltpu.async_copy(table_hbm.at[idx2_v], rows2_v, sem2)
    g1.wait()
    w1 = pltpu.async_copy(rows1_v, out_s.at[pl.ds(r0, RPW)], sem1)
    g2.wait()
    w2 = pltpu.async_copy(rows2_v, out_r.at[pl.ds(r0, RPW)], sem2)
    w1.wait()
    w2.wait()


def _tc_pre_kernel(bonds_ref, sites_ref, W_self_ref, W_pool_ref, b_eq_ref,
                   W1_ref, b1_ref, rbond_ref, h1_ref):
    W_eff = W_self_ref[...] + W_pool_ref[...] * (1.0 / N)
    rbond_ref[...] = (jnp.dot(bonds_ref[...], W_eff[2 * IN_F:],
                              preferred_element_type=jnp.float32)
                      + b_eq_ref[...])
    h1_ref[...] = (jnp.dot(sites_ref[...], W1_ref[:IN_F],
                           preferred_element_type=jnp.float32)
                   + b1_ref[...])


def _tc_kernel(ss_ref, sr_ref, rbond_ref, h1_ref, oh2_ref, sites_ref,
               W_self_ref, W_pool_ref, att_W_ref, att_b_ref,
               W1_ref, W2_ref, b2_ref, out_ref):
    W_eff = W_self_ref[...] + W_pool_ref[...] * (1.0 / N)
    ss = ss_ref[...][:, :IN_F]
    sr = sr_ref[...][:, :IN_F]
    lat = (jnp.dot(ss, W_eff[:IN_F], preferred_element_type=jnp.float32)
           + jnp.dot(sr, W_eff[IN_F:2 * IN_F], preferred_element_type=jnp.float32)
           + rbond_ref[...])
    lat = _leaky(lat)
    logits = jnp.sum(lat * att_W_ref[...].T, axis=1, keepdims=True) + att_b_ref[...]
    lat = lat * jax.nn.sigmoid(logits)

    oh2 = oh2_ref[...]
    sites = sites_ref[...]
    msgs = []
    for b in range(B):
        msgs.append(jnp.dot(oh2.T, lat[b * E:(b + 1) * E],
                            preferred_element_type=jnp.float32))
    msg = jnp.concatenate(msgs, axis=0)

    v = _leaky(h1_ref[...]
               + jnp.dot(msg, W1_ref[IN_F:], preferred_element_type=jnp.float32))
    v = _leaky(jnp.dot(v, W2_ref[...], preferred_element_type=jnp.float32)
               + b2_ref[...])
    out_ref[...] = sites + v


def kernel(sites, bonds, idx1, idx2, idx2_oh, W_self, W_pool, b_eq, att_W, att_b, W1, b1, W2, b2):
    C = 2 * IN_F + BOND_F
    sites_flat = sites.reshape(B * N, IN_F)
    bonds_flat = bonds.reshape(B * E, BOND_F)
    table = jnp.concatenate(
        [sites_flat, jnp.zeros((B * N, PAD - IN_F), jnp.float32)], axis=1)

    ss, sr = _sc_gather(table, idx1, idx2)

    fixed2 = lambda: (0, 0)
    rbond, h1 = pl.pallas_call(
        _tc_pre_kernel,
        in_specs=[pl.BlockSpec((ROWS, BOND_F), fixed2),
                  pl.BlockSpec((B * N, IN_F), fixed2),
                  pl.BlockSpec((C, MSG_F), fixed2),
                  pl.BlockSpec((C, MSG_F), fixed2),
                  pl.BlockSpec((1, MSG_F), fixed2),
                  pl.BlockSpec((IN_F + MSG_F, HID_F), fixed2),
                  pl.BlockSpec((1, HID_F), fixed2)],
        out_specs=(pl.BlockSpec((ROWS, MSG_F), fixed2),
                   pl.BlockSpec((B * N, HID_F), fixed2)),
        out_shape=(jax.ShapeDtypeStruct((ROWS, MSG_F), jnp.float32),
                   jax.ShapeDtypeStruct((B * N, HID_F), jnp.float32)),
    )(bonds_flat, sites_flat, W_self, W_pool, b_eq.reshape(1, MSG_F),
      W1, b1.reshape(1, HID_F))

    sites_out = pl.pallas_call(
        _tc_kernel,
        in_specs=[pl.BlockSpec((ROWS, PAD), fixed2),
                  pl.BlockSpec((ROWS, PAD), fixed2),
                  pl.BlockSpec((ROWS, MSG_F), fixed2),
                  pl.BlockSpec((B * N, HID_F), fixed2),
                  pl.BlockSpec((E, N), fixed2),
                  pl.BlockSpec((B * N, IN_F), fixed2),
                  pl.BlockSpec((C, MSG_F), fixed2),
                  pl.BlockSpec((C, MSG_F), fixed2),
                  pl.BlockSpec((MSG_F, 1), fixed2),
                  pl.BlockSpec((1, 1), fixed2),
                  pl.BlockSpec((IN_F + MSG_F, HID_F), fixed2),
                  pl.BlockSpec((HID_F, OUT_F), fixed2),
                  pl.BlockSpec((1, OUT_F), fixed2)],
        out_specs=pl.BlockSpec((B * N, OUT_F), fixed2),
        out_shape=jax.ShapeDtypeStruct((B * N, OUT_F), jnp.float32),
    )(ss, sr, rbond, h1, idx2_oh, sites_flat, W_self, W_pool,
      att_W, att_b.reshape(1, 1),
      W1, W2, b2.reshape(1, OUT_F))

    return (sites_out.reshape(B, N, OUT_F), bonds)

# --- scband reference (transcript-rebuilt; emitter-appended) ---
"""Pipeline reference for scband-message-passer-44367012168461 (READ-ONLY COPY).

The authoritative reference and input builder live on the scoring server;
editing this copy changes nothing except your own understanding.
"""

import jax, jax.numpy as jnp
import numpy as np

B, N, E = 8, 128, 512
IN_F, HID_F, OUT_F, MSG_F, BOND_F = 64, 128, 64, 64, 16
C = 2 * IN_F + BOND_F


def _leaky(x):
    # nn.LeakyReLU default negative_slope=0.01
    return jnp.where(x >= 0, x, 0.01 * x)


def setup_inputs(seed: int = 0):
    key = jax.random.key(seed)
    ks = jax.random.split(key, 12)
    sites = jax.random.normal(ks[0], (B, N, IN_F), dtype=jnp.float32)
    bonds = jax.random.normal(ks[1], (B, E, BOND_F), dtype=jnp.float32)
    idx1 = jax.random.randint(ks[2], (E,), 0, N, dtype=jnp.int32)
    idx2 = jax.random.randint(ks[3], (E,), 0, N, dtype=jnp.int32)
    idx2_oh = jax.nn.one_hot(idx2, N, dtype=jnp.float32)
    s = 0.05
    W_self = jax.random.normal(ks[4], (C, MSG_F), dtype=jnp.float32) * s
    W_pool = jax.random.normal(ks[5], (C, MSG_F), dtype=jnp.float32) * s
    b_eq = jnp.zeros((MSG_F,), dtype=jnp.float32)
    att_W = jax.random.normal(ks[6], (MSG_F, 1), dtype=jnp.float32) * s
    att_b = jnp.zeros((1,), dtype=jnp.float32)
    W1 = jax.random.normal(ks[7], (IN_F + MSG_F, HID_F), dtype=jnp.float32) * s
    b1 = jnp.zeros((HID_F,), dtype=jnp.float32)
    W2 = jax.random.normal(ks[8], (HID_F, OUT_F), dtype=jnp.float32) * s
    b2 = jnp.zeros((OUT_F,), dtype=jnp.float32)
    return dict(sites=sites, bonds=bonds, idx1=idx1, idx2=idx2, idx2_oh=idx2_oh,
                W_self=W_self, W_pool=W_pool, b_eq=b_eq, att_W=att_W, att_b=att_b,
                W1=W1, b1=b1, W2=W2, b2=b2)


def reference(sites, bonds, idx1, idx2, idx2_oh, W_self, W_pool, b_eq, att_W, att_b, W1, b1, W2, b2):
    # ---- MessageUpdate.message ----
    sites_s = jnp.take(sites, idx1, axis=1)              # index_select dim=1 -> [B,E,IN_F]
    sites_r = jnp.take(sites, idx2, axis=1)              # [B,E,IN_F]
    vectors = jnp.concatenate([sites_s, sites_r, bonds], axis=2)  # [B,E,C]
    vectors_cells = jnp.einsum('bij,ik->bijk', vectors, idx2_oh)  # [B,E,C,N]
    # ae.LinearEquiv(perms, perms, C, MSG_F): permutation-equivariant linear over
    # the cell axis k: per-cell channel mix + pooled (orbit-averaged) channel mix + bias
    h = jnp.einsum('beck,co->beok', vectors_cells, W_self)
    h = h + jnp.einsum('bec,co->beo', vectors_cells.mean(axis=3), W_pool)[..., None]
    h = h + b_eq[None, None, :, None]
    h = _leaky(h)                                        # [B,E,MSG_F,N]
    # torch.gather(vectors_cells, 3, idx2_cells).squeeze()
    idx2_cells = jnp.broadcast_to(idx2.astype(jnp.int32)[None, :, None, None], (B, E, MSG_F, 1))
    lat = jnp.take_along_axis(h, idx2_cells, axis=3)[..., 0]      # [B,E,MSG_F]
    att = jax.nn.sigmoid(lat @ att_W + att_b)             # [B,E,1]
    lat = att * lat
    # torch_scatter.scatter_add(lat, idx2, dim=1) -> [B,N,MSG_F]
    messages = jnp.zeros((B, N, MSG_F), dtype=sites.dtype).at[:, idx2, :].add(lat)
    # ---- NodeUpdate ----
    v = jnp.concatenate([sites, messages], axis=2)        # [B,N,IN_F+MSG_F]
    v = _leaky(v @ W1 + b1)
    v = _leaky(v @ W2 + b2)
    # in_features == out_features -> no change_dim projection
    sites_out = sites + v
    return (sites_out, bonds)

if __name__ == "__main__":
    import jax
    _d = setup_inputs()
    print(jax.jit(kernel)(*tuple(_d.values())))

</pallas_src>

<mosaic_0001>
#map = affine_map<(d0, d1) -> (0, 0)>
#map1 = affine_map<(d0, d1) -> (0)>
module attributes {stable_mosaic.version = 14 : i64} {
  func.func @_sc_gather(%arg0: i32, %arg1: i32, %arg2: memref<1024x128xf32, #tpu.memory_space<hbm>>, %arg3: memref<512xi32, #tpu.memory_space<hbm>>, %arg4: memref<512xi32, #tpu.memory_space<hbm>>, %arg5: memref<4096x128xf32, #tpu.memory_space<hbm>>, %arg6: memref<4096x128xf32, #tpu.memory_space<hbm>>, %arg7: memref<128xi32, #tpu.memory_space<vmem>>, %arg8: memref<128xi32, #tpu.memory_space<vmem>>, %arg9: memref<128x128xf32, #tpu.memory_space<vmem>>, %arg10: memref<128x128xf32, #tpu.memory_space<vmem>>, %arg11: memref<!tpu.dma_semaphore, #tpu.memory_space<semaphore_mem>>, %arg12: memref<!tpu.dma_semaphore, #tpu.memory_space<semaphore_mem>>) attributes {dimension_semantics = [#tpu.dimension_semantics<core_parallel>, #tpu.dimension_semantics<subcore_parallel>], iteration_bounds = array<i64: 2, 16>, scalar_prefetch = 0 : i64, scratch_operands = 6 : i64, tpu.core_type = #tpu.core_type<sc_vector_subcore>, window_params = [{transform_indices = #map}, {transform_indices = #map1}, {transform_indices = #map1}, {transform_indices = #map}, {transform_indices = #map}]} {
    %mul3A = arith.constant 2 : i32
    %mul3A_0 = arith.muli %arg1, %mul3A : i32
    %add3A = arith.addi %mul3A_0, %arg0 : i32
    %mul3A_1 = arith.constant 128 : i32
    %mul3A_2 = arith.muli %add3A, %mul3A_1 : i32
    %jit3A = arith.constant 512 : i32
    %div3A = arith.divsi %mul3A_2, %jit3A : i32
    %sign3A = arith.constant 0 : i32
    %sign3A_3 = arith.cmpi sgt, %mul3A_2, %sign3A : i32
    %sign3A_4 = arith.extui %sign3A_3 : i1 to i32
    %sign3A_5 = arith.constant 0 : i32
    %sign3A_6 = arith.cmpi slt, %mul3A_2, %sign3A_5 : i32
    %sign3A_7 = arith.extui %sign3A_6 : i1 to i32
    %sign3A_8 = arith.subi %sign3A_4, %sign3A_7 : i32
    %sign3A_9 = arith.constant 0 : i32
    %sign3A_10 = arith.cmpi sgt, %jit3A, %sign3A_9 : i32
    %sign3A_11 = arith.extui %sign3A_10 : i1 to i32
    %sign3A_12 = arith.constant 0 : i32
    %sign3A_13 = arith.cmpi slt, %jit3A, %sign3A_12 : i32
    %sign3A_14 = arith.extui %sign3A_13 : i1 to i32
    %sign3A_15 = arith.subi %sign3A_11, %sign3A_14 : i32
    %ne3A = arith.cmpi ne, %sign3A_8, %sign3A_15 : i32
    %rem3A = arith.remsi %mul3A_2, %jit3A : i32
    %ne3A_16 = arith.constant 0 : i32
    %ne3A_17 = arith.cmpi ne, %rem3A, %ne3A_16 : i32
    %and3A = arith.andi %ne3A, %ne3A_17 : i1
    %sub3A = arith.constant 1 : i32
    %sub3A_18 = arith.subi %div3A, %sub3A : i32
    %select_n3A = arith.select %and3A, %sub3A_18, %div3A : i32
    %jit3A_19 = arith.constant 512 : i32
    %eq3A = arith.constant 0 : i32
    %eq3A_20 = arith.cmpi eq, %jit3A_19, %eq3A : i32
    %jit3A_21 = arith.constant 1 : i32
    %select_n3A_22 = arith.select %eq3A_20, %jit3A_21, %jit3A_19 : i32
    %rem3A_23 = arith.remsi %mul3A_2, %select_n3A_22 : i32
    %ne3A_24 = arith.constant 0 : i32
    %ne3A_25 = arith.cmpi ne, %rem3A_23, %ne3A_24 : i32
    %lt3A = arith.constant 0 : i32
    %lt3A_26 = arith.cmpi slt, %rem3A_23, %lt3A : i32
    %lt3A_27 = arith.constant 0 : i32
    %lt3A_28 = arith.cmpi slt, %select_n3A_22, %lt3A_27 : i32
    %ne3A_29 = arith.xori %lt3A_26, %lt3A_28 : i1
    %and3A_30 = arith.andi %ne3A_29, %ne3A_25 : i1
    %add3A_31 = arith.addi %rem3A_23, %select_n3A_22 : i32
    %select_n3A_32 = arith.select %and3A_30, %add3A_31, %rem3A_23 : i32
    %mul3A_33 = arith.constant 128 : i32
    %mul3A_34 = arith.muli %select_n3A, %mul3A_33 : i32
    %dma_start3A = tpu.memref_slice %arg3[%select_n3A_32] : memref<512xi32, #tpu.memory_space<hbm>> -> memref<128xi32, #tpu.memory_space<hbm>>
    %dma_start3A_35 = tpu.memref_slice %arg3[%select_n3A_32] : memref<512xi32, #tpu.memory_space<hbm>> -> memref<128xi32, #tpu.memory_space<hbm>>
    tpu.enqueue_dma source(%dma_start3A_35 : memref<128xi32, #tpu.memory_space<hbm>>) target(%arg7 : memref<128xi32, #tpu.memory_space<vmem>>) target_semaphore(%arg11 : memref<!tpu.dma_semaphore, #tpu.memory_space<semaphore_mem>>)
    %dma_start3A_36 = tpu.memref_slice %arg4[%select_n3A_32] : memref<512xi32, #tpu.memory_space<hbm>> -> memref<128xi32, #tpu.memory_space<hbm>>
    %dma_start3A_37 = tpu.memref_slice %arg4[%select_n3A_32] : memref<512xi32, #tpu.memory_space<hbm>> -> memref<128xi32, #tpu.memory_space<hbm>>
    tpu.enqueue_dma source(%dma_start3A_37 : memref<128xi32, #tpu.memory_space<hbm>>) target(%arg8 : memref<128xi32, #tpu.memory_space<vmem>>) target_semaphore(%arg12 : memref<!tpu.dma_semaphore, #tpu.memory_space<semaphore_mem>>)
    %dma_wait3A = tpu.memref_slice %arg3[%select_n3A_32] : memref<512xi32, #tpu.memory_space<hbm>> -> memref<128xi32, #tpu.memory_space<hbm>>
    %dma_wait3A_38 = tpu.memref_slice %arg3[%select_n3A_32] : memref<512xi32, #tpu.memory_space<hbm>> -> memref<128xi32, #tpu.memory_space<hbm>>
    tpu.wait_dma2 semaphore(%arg11 : memref<!tpu.dma_semaphore, #tpu.memory_space<semaphore_mem>>) src(%dma_wait3A_38 : memref<128xi32, #tpu.memory_space<hbm>>) dst(%arg7 : memref<128xi32, #tpu.memory_space<vmem>>)
    %dma_wait3A_39 = tpu.memref_slice %arg4[%select_n3A_32] : memref<512xi32, #tpu.memory_space<hbm>> -> memref<128xi32, #tpu.memory_space<hbm>>
    %dma_wait3A_40 = tpu.memref_slice %arg4[%select_n3A_32] : memref<512xi32, #tpu.memory_space<hbm>> -> memref<128xi32, #tpu.memory_space<hbm>>
    tpu.wait_dma2 semaphore(%arg12 : memref<!tpu.dma_semaphore, #tpu.memory_space<semaphore_mem>>) src(%dma_wait3A_40 : memref<128xi32, #tpu.memory_space<hbm>>) dst(%arg8 : memref<128xi32, #tpu.memory_space<vmem>>)
    %get3A = arith.constant 0 : index
    %get3A_41 = tpu.vector_load %arg7[%get3A] {strides = array<i32>} : memref<128xi32, #tpu.memory_space<vmem>>, vector<16xi32>,
    %get3A_42 = vector.shape_cast %get3A_41 : vector<16xi32> to vector<16xi32>
    %add3A_43 = vector.broadcast %mul3A_34 : i32 to vector<16xi32>
    %add3A_44 = arith.addi %get3A_42, %add3A_43 : vector<16xi32>
    %swap3A = arith.constant 0 : index
    %swap3A_45 = tpu.vector_load %arg7[%swap3A] {strides = array<i32>} : memref<128xi32, #tpu.memory_space<vmem>>, vector<16xi32>,
    %swap3A_46 = vector.shape_cast %swap3A_45 : vector<16xi32> to vector<16xi32>
    %swap3A_47 = vector.shape_cast %add3A_44 : vector<16xi32> to vector<16xi32>
    tpu.vector_store %arg7[%swap3A], %swap3A_47 {strides = array<i32>} : memref<128xi32, #tpu.memory_space<vmem>>, vector<16xi32>,
    %get3A_48 = arith.constant 0 : index
    %get3A_49 = tpu.vector_load %arg8[%get3A_48] {strides = array<i32>} : memref<128xi32, #tpu.memory_space<vmem>>, vector<16xi32>,
    %get3A_50 = vector.shape_cast %get3A_49 : vector<16xi32> to vector<16xi32>
    %add3A_51 = vector.broadcast %mul3A_34 : i32 to vector<16xi32>
    %add3A_52 = arith.addi %get3A_50, %add3A_51 : vector<16xi32>
    %swap3A_53 = arith.constant 0 : index
    %swap3A_54 = tpu.vector_load %arg8[%swap3A_53] {strides = array<i32>} : memref<128xi32, #tpu.memory_space<vmem>>, vector<16xi32>,
    %swap3A_55 = vector.shape_cast %swap3A_54 : vector<16xi32> to vector<16xi32>
    %swap3A_56 = vector.shape_cast %add3A_52 : vector<16xi32> to vector<16xi32>
    tpu.vector_store %arg8[%swap3A_53], %swap3A_56 {strides = array<i32>} : memref<128xi32, #tpu.memory_space<vmem>>, vector<16xi32>,
    %get3A_57 = arith.constant 16 : index
    %get3A_58 = tpu.vector_load %arg7[%get3A_57] {strides = array<i32>} : memref<128xi32, #tpu.memory_space<vmem>>, vector<16xi32>,
    %get3A_59 = vector.shape_cast %get3A_58 : vector<16xi32> to vector<16xi32>
    %add3A_60 = vector.broadcast %mul3A_34 : i32 to vector<16xi32>
    %add3A_61 = arith.addi %get3A_59, %add3A_60 : vector<16xi32>
    %swap3A_62 = arith.constant 16 : index
    %swap3A_63 = tpu.vector_load %arg7[%swap3A_62] {strides = array<i32>} : memref<128xi32, #tpu.memory_space<vmem>>, vector<16xi32>,
    %swap3A_64 = vector.shape_cast %swap3A_63 : vector<16xi32> to vector<16xi32>
    %swap3A_65 = vector.shape_cast %add3A_61 : vector<16xi32> to vector<16xi32>
    tpu.vector_store %arg7[%swap3A_62], %swap3A_65 {strides = array<i32>} : memref<128xi32, #tpu.memory_space<vmem>>, vector<16xi32>,
    %get3A_66 = arith.constant 16 : index
    %get3A_67 = tpu.vector_load %arg8[%get3A_66] {strides = array<i32>} : memref<128xi32, #tpu.memory_space<vmem>>, vector<16xi32>,
    %get3A_68 = vector.shape_cast %get3A_67 : vector<16xi32> to vector<16xi32>
    %add3A_69 = vector.broadcast %mul3A_34 : i32 to vector<16xi32>
    %add3A_70 = arith.addi %get3A_68, %add3A_69 : vector<16xi32>
    %swap3A_71 = arith.constant 16 : index
    %swap3A_72 = tpu.vector_load %arg8[%swap3A_71] {strides = array<i32>} : memref<128xi32, #tpu.memory_space<vmem>>, vector<16xi32>,
    %swap3A_73 = vector.shape_cast %swap3A_72 : vector<16xi32> to vector<16xi32>
    %swap3A_74 = vector.shape_cast %add3A_70 : vector<16xi32> to vector<16xi32>
    tpu.vector_store %arg8[%swap3A_71], %swap3A_74 {strides = array<i32>} : memref<128xi32, #tpu.memory_space<vmem>>, vector<16xi32>,
    %get3A_75 = arith.constant 32 : index
    %get3A_76 = tpu.vector_load %arg7[%get3A_75] {strides = array<i32>} : memref<128xi32, #tpu.memory_space<vmem>>, vector<16xi32>,
    %get3A_77 = vector.shape_cast %get3A_76 : vector<16xi32> to vector<16xi32>
    %add3A_78 = vector.broadcast %mul3A_34 : i32 to vector<16xi32>
    %add3A_79 = arith.addi %get3A_77, %add3A_78 : vector<16xi32>
    %swap3A_80 = arith.constant 32 : index
    %swap3A_81 = tpu.vector_load %arg7[%swap3A_80] {strides = array<i32>} : memref<128xi32, #tpu.memory_space<vmem>>, vector<16xi32>,
    %swap3A_82 = vector.shape_cast %swap3A_81 : vector<16xi32> to vector<16xi32>
    %swap3A_83 = vector.shape_cast %add3A_79 : vector<16xi32> to vector<16xi32>
    tpu.vector_store %arg7[%swap3A_80], %swap3A_83 {strides = array<i32>} : memref<128xi32, #tpu.memory_space<vmem>>, vector<16xi32>,
    %get3A_84 = arith.constant 32 : index
    %get3A_85 = tpu.vector_load %arg8[%get3A_84] {strides = array<i32>} : memref<128xi32, #tpu.memory_space<vmem>>, vector<16xi32>,
    %get3A_86 = vector.shape_cast %get3A_85 : vector<16xi32> to vector<16xi32>
    %add3A_87 = vector.broadcast %mul3A_34 : i32 to vector<16xi32>
    %add3A_88 = arith.addi %get3A_86, %add3A_87 : vector<16xi32>
    %swap3A_89 = arith.constant 32 : index
    %swap3A_90 = tpu.vector_load %arg8[%swap3A_89] {strides = array<i32>} : memref<128xi32, #tpu.memory_space<vmem>>, vector<16xi32>,
    %swap3A_91 = vector.shape_cast %swap3A_90 : vector<16xi32> to vector<16xi32>
    %swap3A_92 = vector.shape_cast %add3A_88 : vector<16xi32> to vector<16xi32>
    tpu.vector_store %arg8[%swap3A_89], %swap3A_92 {strides = array<i32>} : memref<128xi32, #tpu.memory_space<vmem>>, vector<16xi32>,
    %get3A_93 = arith.constant 48 : index
    %get3A_94 = tpu.vector_load %arg7[%get3A_93] {strides = array<i32>} : memref<128xi32, #tpu.memory_space<vmem>>, vector<16xi32>,
    %get3A_95 = vector.shape_cast %get3A_94 : vector<16xi32> to vector<16xi32>
    %add3A_96 = vector.broadcast %mul3A_34 : i32 to vector<16xi32>
    %add3A_97 = arith.addi %get3A_95, %add3A_96 : vector<16xi32>
    %swap3A_98 = arith.constant 48 : index
    %swap3A_99 = tpu.vector_load %arg7[%swap3A_98] {strides = array<i32>} : memref<128xi32, #tpu.memory_space<vmem>>, vector<16xi32>,
    %swap3A_100 = vector.shape_cast %swap3A_99 : vector<16xi32> to vector<16xi32>
    %swap3A_101 = vector.shape_cast %add3A_97 : vector<16xi32> to vector<16xi32>
    tpu.vector_store %arg7[%swap3A_98], %swap3A_101 {strides = array<i32>} : memref<128xi32, #tpu.memory_space<vmem>>, vector<16xi32>,
    %get3A_102 = arith.constant 48 : index
    %get3A_103 = tpu.vector_load %arg8[%get3A_102] {strides = array<i32>} : memref<128xi32, #tpu.memory_space<vmem>>, vector<16xi32>,
    %get3A_104 = vector.shape_cast %get3A_103 : vector<16xi32> to vector<16xi32>
    %add3A_105 = vector.broadcast %mul3A_34 : i32 to vector<16xi32>
    %add3A_106 = arith.addi %get3A_104, %add3A_105 : vector<16xi32>
    %swap3A_107 = arith.constant 48 : index
    %swap3A_108 = tpu.vector_load %arg8[%swap3A_107] {strides = array<i32>} : memref<128xi32, #tpu.memory_space<vmem>>, vector<16xi32>,
    %swap3A_109 = vector.shape_cast %swap3A_108 : vector<16xi32> to vector<16xi32>
    %swap3A_110 = vector.shape_cast %add3A_106 : vector<16xi32> to vector<16xi32>
    tpu.vector_store %arg8[%swap3A_107], %swap3A_110 {strides = array<i32>} : memref<128xi32, #tpu.memory_space<vmem>>, vector<16xi32>,
    %get3A_111 = arith.constant 64 : index
    %get3A_112 = tpu.vector_load %arg7[%get3A_111] {strides = array<i32>} : memref<128xi32, #tpu.memory_space<vmem>>, vector<16xi32>,
    %get3A_113 = vector.shape_cast %get3A_112 : vector<16xi32> to vector<16xi32>
    %add3A_114 = vector.broadcast %mul3A_34 : i32 to vector<16xi32>
    %add3A_115 = arith.addi %get3A_113, %add3A_114 : vector<16xi32>
    %swap3A_116 = arith.constant 64 : index
    %swap3A_117 = tpu.vector_load %arg7[%swap3A_116] {strides = array<i32>} : memref<128xi32, #tpu.memory_space<vmem>>, vector<16xi32>,
    %swap3A_118 = vector.shape_cast %swap3A_117 : vector<16xi32> to vector<16xi32>
    %swap3A_119 = vector.shape_cast %add3A_115 : vector<16xi32> to vector<16xi32>
    tpu.vector_store %arg7[%swap3A_116], %swap3A_119 {strides = array<i32>} : memref<128xi32, #tpu.memory_space<vmem>>, vector<16xi32>,
    %get3A_120 = arith.constant 64 : index
    %get3A_121 = tpu.vector_load %arg8[%get3A_120] {strides = array<i32>} : memref<128xi32, #tpu.memory_space<vmem>>, vector<16xi32>,
    %get3A_122 = vector.shape_cast %get3A_121 : vector<16xi32> to vector<16xi32>
    %add3A_123 = vector.broadcast %mul3A_34 : i32 to vector<16xi32>
    %add3A_124 = arith.addi %get3A_122, %add3A_123 : vector<16xi32>
    %swap3A_125 = arith.constant 64 : index
    %swap3A_126 = tpu.vector_load %arg8[%swap3A_125] {strides = array<i32>} : memref<128xi32, #tpu.memory_space<vmem>>, vector<16xi32>,
    %swap3A_127 = vector.shape_cast %swap3A_126 : vector<16xi32> to vector<16xi32>
    %swap3A_128 = vector.shape_cast %add3A_124 : vector<16xi32> to vector<16xi32>
    tpu.vector_store %arg8[%swap3A_125], %swap3A_128 {strides = array<i32>} : memref<128xi32, #tpu.memory_space<vmem>>, vector<16xi32>,
    %get3A_129 = arith.constant 80 : index
    %get3A_130 = tpu.vector_load %arg7[%get3A_129] {strides = array<i32>} : memref<128xi32, #tpu.memory_space<vmem>>, vector<16xi32>,
    %get3A_131 = vector.shape_cast %get3A_130 : vector<16xi32> to vector<16xi32>
    %add3A_132 = vector.broadcast %mul3A_34 : i32 to vector<16xi32>
    %add3A_133 = arith.addi %get3A_131, %add3A_132 : vector<16xi32>
    %swap3A_134 = arith.constant 80 : index
    %swap3A_135 = tpu.vector_load %arg7[%swap3A_134] {strides = array<i32>} : memref<128xi32, #tpu.memory_space<vmem>>, vector<16xi32>,
    %swap3A_136 = vector.shape_cast %swap3A_135 : vector<16xi32> to vector<16xi32>
    %swap3A_137 = vector.shape_cast %add3A_133 : vector<16xi32> to vector<16xi32>
    tpu.vector_store %arg7[%swap3A_134], %swap3A_137 {strides = array<i32>} : memref<128xi32, #tpu.memory_space<vmem>>, vector<16xi32>,
    %get3A_138 = arith.constant 80 : index
    %get3A_139 = tpu.vector_load %arg8[%get3A_138] {strides = array<i32>} : memref<128xi32, #tpu.memory_space<vmem>>, vector<16xi32>,
    %get3A_140 = vector.shape_cast %get3A_139 : vector<16xi32> to vector<16xi32>
    %add3A_141 = vector.broadcast %mul3A_34 : i32 to vector<16xi32>
    %add3A_142 = arith.addi %get3A_140, %add3A_141 : vector<16xi32>
    %swap3A_143 = arith.constant 80 : index
    %swap3A_144 = tpu.vector_load %arg8[%swap3A_143] {strides = array<i32>} : memref<128xi32, #tpu.memory_space<vmem>>, vector<16xi32>,
    %swap3A_145 = vector.shape_cast %swap3A_144 : vector<16xi32> to vector<16xi32>
    %swap3A_146 = vector.shape_cast %add3A_142 : vector<16xi32> to vector<16xi32>
    tpu.vector_store %arg8[%swap3A_143], %swap3A_146 {strides = array<i32>} : memref<128xi32, #tpu.memory_space<vmem>>, vector<16xi32>,
    %get3A_147 = arith.constant 96 : index
    %get3A_148 = tpu.vector_load %arg7[%get3A_147] {strides = array<i32>} : memref<128xi32, #tpu.memory_space<vmem>>, vector<16xi32>,
    %get3A_149 = vector.shape_cast %get3A_148 : vector<16xi32> to vector<16xi32>
    %add3A_150 = vector.broadcast %mul3A_34 : i32 to vector<16xi32>
    %add3A_151 = arith.addi %get3A_149, %add3A_150 : vector<16xi32>
    %swap3A_152 = arith.constant 96 : index
    %swap3A_153 = tpu.vector_load %arg7[%swap3A_152] {strides = array<i32>} : memref<128xi32, #tpu.memory_space<vmem>>, vector<16xi32>,
    %swap3A_154 = vector.shape_cast %swap3A_153 : vector<16xi32> to vector<16xi32>
    %swap3A_155 = vector.shape_cast %add3A_151 : vector<16xi32> to vector<16xi32>
    tpu.vector_store %arg7[%swap3A_152], %swap3A_155 {strides = array<i32>} : memref<128xi32, #tpu.memory_space<vmem>>, vector<16xi32>,
    %get3A_156 = arith.constant 96 : index
    %get3A_157 = tpu.vector_load %arg8[%get3A_156] {strides = array<i32>} : memref<128xi32, #tpu.memory_space<vmem>>, vector<16xi32>,
    %get3A_158 = vector.shape_cast %get3A_157 : vector<16xi32> to vector<16xi32>
    %add3A_159 = vector.broadcast %mul3A_34 : i32 to vector<16xi32>
    %add3A_160 = arith.addi %get3A_158, %add3A_159 : vector<16xi32>
    %swap3A_161 = arith.constant 96 : index
    %swap3A_162 = tpu.vector_load %arg8[%swap3A_161] {strides = array<i32>} : memref<128xi32, #tpu.memory_space<vmem>>, vector<16xi32>,
    %swap3A_163 = vector.shape_cast %swap3A_162 : vector<16xi32> to vector<16xi32>
    %swap3A_164 = vector.shape_cast %add3A_160 : vector<16xi32> to vector<16xi32>
    tpu.vector_store %arg8[%swap3A_161], %swap3A_164 {strides = array<i32>} : memref<128xi32, #tpu.memory_space<vmem>>, vector<16xi32>,
    %get3A_165 = arith.constant 112 : index
    %get3A_166 = tpu.vector_load %arg7[%get3A_165] {strides = array<i32>} : memref<128xi32, #tpu.memory_space<vmem>>, vector<16xi32>,
    %get3A_167 = vector.shape_cast %get3A_166 : vector<16xi32> to vector<16xi32>
    %add3A_168 = vector.broadcast %mul3A_34 : i32 to vector<16xi32>
    %add3A_169 = arith.addi %get3A_167, %add3A_168 : vector<16xi32>
    %swap3A_170 = arith.constant 112 : index
    %swap3A_171 = tpu.vector_load %arg7[%swap3A_170] {strides = array<i32>} : memref<128xi32, #tpu.memory_space<vmem>>, vector<16xi32>,
    %swap3A_172 = vector.shape_cast %swap3A_171 : vector<16xi32> to vector<16xi32>
    %swap3A_173 = vector.shape_cast %add3A_169 : vector<16xi32> to vector<16xi32>
    tpu.vector_store %arg7[%swap3A_170], %swap3A_173 {strides = array<i32>} : memref<128xi32, #tpu.memory_space<vmem>>, vector<16xi32>,
    %get3A_174 = arith.constant 112 : index
    %get3A_175 = tpu.vector_load %arg8[%get3A_174] {strides = array<i32>} : memref<128xi32, #tpu.memory_space<vmem>>, vector<16xi32>,
    %get3A_176 = vector.shape_cast %get3A_175 : vector<16xi32> to vector<16xi32>
    %add3A_177 = vector.broadcast %mul3A_34 : i32 to vector<16xi32>
    %add3A_178 = arith.addi %get3A_176, %add3A_177 : vector<16xi32>
    %swap3A_179 = arith.constant 112 : index
    %swap3A_180 = tpu.vector_load %arg8[%swap3A_179] {strides = array<i32>} : memref<128xi32, #tpu.memory_space<vmem>>, vector<16xi32>,
    %swap3A_181 = vector.shape_cast %swap3A_180 : vector<16xi32> to vector<16xi32>
    %swap3A_182 = vector.shape_cast %add3A_178 : vector<16xi32> to vector<16xi32>
    tpu.vector_store %arg8[%swap3A_179], %swap3A_182 {strides = array<i32>} : memref<128xi32, #tpu.memory_space<vmem>>, vector<16xi32>,
    %dma_start3A_183 = arith.constant 0 : i32
    %dma_start3A_184 = arith.constant 0 : i32
    %dma_start3A_185 = tpu.memref_slice %arg2[%dma_start3A_183, %dma_start3A_184] : memref<1024x128xf32, #tpu.memory_space<hbm>> -> memref<1024x128xf32, #tpu.memory_space<hbm>>
    tpu.enqueue_indirect_dma source(%dma_start3A_185 : memref<1024x128xf32, #tpu.memory_space<hbm>>) target(%arg9 : memref<128x128xf32, #tpu.memory_space<vmem>>) offsets(%arg7 : memref<128xi32, #tpu.memory_space<vmem>>) semaphore(%arg11 : memref<!tpu.dma_semaphore, #tpu.memory_space<semaphore_mem>>)
    %dma_start3A_186 = arith.constant 0 : i32
    %dma_start3A_187 = arith.constant 0 : i32
    %dma_start3A_188 = tpu.memref_slice %arg2[%dma_start3A_186, %dma_start3A_187] : memref<1024x128xf32, #tpu.memory_space<hbm>> -> memref<1024x128xf32, #tpu.memory_space<hbm>>
    tpu.enqueue_indirect_dma source(%dma_start3A_188 : memref<1024x128xf32, #tpu.memory_space<hbm>>) target(%arg10 : memref<128x128xf32, #tpu.memory_space<vmem>>) offsets(%arg8 : memref<128xi32, #tpu.memory_space<vmem>>) semaphore(%arg12 : memref<!tpu.dma_semaphore, #tpu.memory_space<semaphore_mem>>)
    %dma_wait3A_189 = arith.constant 0 : i32
    %dma_wait3A_190 = arith.constant 0 : i32
    %dma_wait3A_191 = tpu.memref_slice %arg2[%dma_wait3A_189, %dma_wait3A_190] : memref<1024x128xf32, #tpu.memory_space<hbm>> -> memref<1024x128xf32, #tpu.memory_space<hbm>>
    tpu.wait_indirect_dma semaphore(%arg11 : memref<!tpu.dma_semaphore, #tpu.memory_space<semaphore_mem>>) src(%dma_wait3A_191 : memref<1024x128xf32, #tpu.memory_space<hbm>>) dst(%arg9 : memref<128x128xf32, #tpu.memory_space<vmem>>)
    %dma_start3A_192 = arith.constant 0 : i32
    %dma_start3A_193 = tpu.memref_slice %arg5[%mul3A_2, %dma_start3A_192] : memref<4096x128xf32, #tpu.memory_space<hbm>> -> memref<128x128xf32, #tpu.memory_space<hbm>>
    %dma_start3A_194 = arith.constant 0 : i32
    %dma_start3A_195 = tpu.memref_slice %arg5[%mul3A_2, %dma_start3A_194] : memref<4096x128xf32, #tpu.memory_space<hbm>> -> memref<128x128xf32, #tpu.memory_space<hbm>>
    tpu.enqueue_dma source(%arg9 : memref<128x128xf32, #tpu.memory_space<vmem>>) target(%dma_start3A_195 : memref<128x128xf32, #tpu.memory_space<hbm>>) target_semaphore(%arg11 : memref<!tpu.dma_semaphore, #tpu.memory_space<semaphore_mem>>)
    %dma_wait3A_196 = arith.constant 0 : i32
    %dma_wait3A_197 = arith.constant 0 : i32
    %dma_wait3A_198 = tpu.memref_slice %arg2[%dma_wait3A_196, %dma_wait3A_197] : memref<1024x128xf32, #tpu.memory_space<hbm>> -> memref<1024x128xf32, #tpu.memory_space<hbm>>
    tpu.wait_indirect_dma semaphore(%arg12 : memref<!tpu.dma_semaphore, #tpu.memory_space<semaphore_mem>>) src(%dma_wait3A_198 : memref<1024x128xf32, #tpu.memory_space<hbm>>) dst(%arg10 : memref<128x128xf32, #tpu.memory_space<vmem>>)
    %dma_start3A_199 = arith.constant 0 : i32
    %dma_start3A_200 = tpu.memref_slice %arg6[%mul3A_2, %dma_start3A_199] : memref<4096x128xf32, #tpu.memory_space<hbm>> -> memref<128x128xf32, #tpu.memory_space<hbm>>
    %dma_start3A_201 = arith.constant 0 : i32
    %dma_start3A_202 = tpu.memref_slice %arg6[%mul3A_2, %dma_start3A_201] : memref<4096x128xf32, #tpu.memory_space<hbm>> -> memref<128x128xf32, #tpu.memory_space<hbm>>
    tpu.enqueue_dma source(%arg10 : memref<128x128xf32, #tpu.memory_space<vmem>>) target(%dma_start3A_202 : memref<128x128xf32, #tpu.memory_space<hbm>>) target_semaphore(%arg12 : memref<!tpu.dma_semaphore, #tpu.memory_space<semaphore_mem>>)
    %dma_wait3A_203 = arith.constant 0 : i32
    %dma_wait3A_204 = tpu.memref_slice %arg5[%mul3A_2, %dma_wait3A_203] : memref<4096x128xf32, #tpu.memory_space<hbm>> -> memref<128x128xf32, #tpu.memory_space<hbm>>
    %dma_wait3A_205 = arith.constant 0 : i32
    %dma_wait3A_206 = tpu.memref_slice %arg5[%mul3A_2, %dma_wait3A_205] : memref<4096x128xf32, #tpu.memory_space<hbm>> -> memref<128x128xf32, #tpu.memory_space<hbm>>
    tpu.wait_dma2 semaphore(%arg11 : memref<!tpu.dma_semaphore, #tpu.memory_space<semaphore_mem>>) src(%arg9 : memref<128x128xf32, #tpu.memory_space<vmem>>) dst(%dma_wait3A_206 : memref<128x128xf32, #tpu.memory_space<hbm>>)
    %dma_wait3A_207 = arith.constant 0 : i32
    %dma_wait3A_208 = tpu.memref_slice %arg6[%mul3A_2, %dma_wait3A_207] : memref<4096x128xf32, #tpu.memory_space<hbm>> -> memref<128x128xf32, #tpu.memory_space<hbm>>
    %dma_wait3A_209 = arith.constant 0 : i32
    %dma_wait3A_210 = tpu.memref_slice %arg6[%mul3A_2, %dma_wait3A_209] : memref<4096x128xf32, #tpu.memory_space<hbm>> -> memref<128x128xf32, #tpu.memory_space<hbm>>
    tpu.wait_dma2 semaphore(%arg12 : memref<!tpu.dma_semaphore, #tpu.memory_space<semaphore_mem>>) src(%arg10 : memref<128x128xf32, #tpu.memory_space<vmem>>) dst(%dma_wait3A_210 : memref<128x128xf32, #tpu.memory_space<hbm>>)
    return
  }
}

module attributes {stable_mosaic.version = 14 : i64} {
  func.func @_tc_pre_kernel(%arg0: memref<4096x16xf32, #tpu.memory_space<vmem>>, %arg1: memref<1024x64xf32, #tpu.memory_space<vmem>>, %arg2: memref<144x64xf32, #tpu.memory_space<vmem>>, %arg3: memref<144x64xf32, #tpu.memory_space<vmem>>, %arg4: memref<1x64xf32, #tpu.memory_space<vmem>>, %arg5: memref<128x128xf32, #tpu.memory_space<vmem>>, %arg6: memref<1x128xf32, #tpu.memory_space<vmem>>, %arg7: memref<4096x64xf32, #tpu.memory_space<vmem>>, %arg8: memref<1024x128xf32, #tpu.memory_space<vmem>>) attributes {dimension_semantics = [], scalar_prefetch = 0 : i64, scratch_operands = 0 : i64, tpu.core_type = #tpu.core_type<tc>} {
    %get3A = arith.constant 0 : index
    %get3A_0 = arith.constant 0 : index
    %get3A_1 = vector.load %arg2[%get3A, %get3A_0] : memref<144x64xf32, #tpu.memory_space<vmem>>, vector<144x64xf32>
    %get3A_2 = arith.constant 0 : index
    %get3A_3 = arith.constant 0 : index
    %get3A_4 = vector.load %arg3[%get3A_2, %get3A_3] : memref<144x64xf32, #tpu.memory_space<vmem>>, vector<144x64xf32>
    %mul3A = arith.constant 7.812500e-03 : f32
    %mul3A_5 = vector.broadcast %mul3A : f32 to vector<144x64xf32>
    %mul3A_6 = arith.mulf %get3A_4, %mul3A_5 : vector<144x64xf32>
    %add3A = arith.addf %get3A_1, %mul3A_6 : vector<144x64xf32>
    %get3A_7 = arith.constant 0 : index
    %get3A_8 = arith.constant 0 : index
    %get3A_9 = vector.load %arg0[%get3A_7, %get3A_8] : memref<4096x16xf32, #tpu.memory_space<vmem>>, vector<4096x16xf32>
    %slice3A = vector.extract_strided_slice %add3A {offsets = [128, 0], sizes = [16, 64], strides = [1, 1]} : vector<144x64xf32> to vector<16x64xf32>
    %dot_general3A = arith.constant dense<0.000000e+00> : vector<4096x64xf32>
    %dot_general3A_10 = tpu.matmul %get3A_9, %slice3A, %dot_general3A {dimension_numbers = #tpu.dot_dimension_numbers<[1], [0], [0], [1], [0, 0, 1, 1], [], []>, transpose_lhs_hint = false} : vector<4096x16xf32>, vector<16x64xf32>, vector<4096x64xf32> -> vector<4096x64xf32>
    %get3A_11 = arith.constant 0 : index
    %get3A_12 = arith.constant 0 : index
    %get3A_13 = vector.load %arg4[%get3A_11, %get3A_12] : memref<1x64xf32, #tpu.memory_space<vmem>>, vector<1x64xf32>
    %add3A_14 = vector.broadcast %get3A_13 : vector<1x64xf32> to vector<4096x64xf32>
    %add3A_15 = arith.addf %dot_general3A_10, %add3A_14 : vector<4096x64xf32>
    %swap3A = arith.constant 0 : index
    %swap3A_16 = arith.constant 0 : index
    %swap3A_17 = vector.load %arg7[%swap3A, %swap3A_16] : memref<4096x64xf32, #tpu.memory_space<vmem>>, vector<4096x64xf32>
    tpu.vector_store %arg7[%swap3A, %swap3A_16], %add3A_15 {strides = array<i32>} : memref<4096x64xf32, #tpu.memory_space<vmem>>, vector<4096x64xf32>,
    %get3A_18 = arith.constant 0 : index
    %get3A_19 = arith.constant 0 : index
    %get3A_20 = vector.load %arg1[%get3A_18, %get3A_19] : memref<1024x64xf32, #tpu.memory_space<vmem>>, vector<1024x64xf32>
    %get3A_21 = arith.constant 0 : index
    %get3A_22 = arith.constant 0 : index
    %get3A_23 = vector.load %arg5[%get3A_21, %get3A_22] : memref<128x128xf32, #tpu.memory_space<vmem>>, vector<64x128xf32>
    %dot_general3A_24 = arith.constant dense<0.000000e+00> : vector<1024x128xf32>
    %dot_general3A_25 = tpu.matmul %get3A_20, %get3A_23, %dot_general3A_24 {dimension_numbers = #tpu.dot_dimension_numbers<[1], [0], [0], [1], [0, 0, 1, 1], [], []>, transpose_lhs_hint = false} : vector<1024x64xf32>, vector<64x128xf32>, vector<1024x128xf32> -> vector<1024x128xf32>
    %get3A_26 = arith.constant 0 : index
    %get3A_27 = arith.constant 0 : index
    %get3A_28 = vector.load %arg6[%get3A_26, %get3A_27] : memref<1x128xf32, #tpu.memory_space<vmem>>, vector<1x128xf32>
    %add3A_29 = vector.broadcast %get3A_28 : vector<1x128xf32> to vector<1024x128xf32>
    %add3A_30 = arith.addf %dot_general3A_25, %add3A_29 : vector<1024x128xf32>
    %swap3A_31 = arith.constant 0 : index
    %swap3A_32 = arith.constant 0 : index
    %swap3A_33 = vector.load %arg8[%swap3A_31, %swap3A_32] : memref<1024x128xf32, #tpu.memory_space<vmem>>, vector<1024x128xf32>
    tpu.vector_store %arg8[%swap3A_31, %swap3A_32], %add3A_30 {strides = array<i32>} : memref<1024x128xf32, #tpu.memory_space<vmem>>, vector<1024x128xf32>,
    return
  }
}

module attributes {stable_mosaic.version = 14 : i64} {
  func.func @_tc_kernel(%arg0: memref<4096x128xf32, #tpu.memory_space<vmem>>, %arg1: memref<4096x128xf32, #tpu.memory_space<vmem>>, %arg2: memref<4096x64xf32, #tpu.memory_space<vmem>>, %arg3: memref<1024x128xf32, #tpu.memory_space<vmem>>, %arg4: memref<512x128xf32, #tpu.memory_space<vmem>>, %arg5: memref<1024x64xf32, #tpu.memory_space<vmem>>, %arg6: memref<144x64xf32, #tpu.memory_space<vmem>>, %arg7: memref<144x64xf32, #tpu.memory_space<vmem>>, %arg8: memref<64x1xf32, #tpu.memory_space<vmem>>, %arg9: memref<1x1xf32, #tpu.memory_space<vmem>>, %arg10: memref<128x128xf32, #tpu.memory_space<vmem>>, %arg11: memref<128x64xf32, #tpu.memory_space<vmem>>, %arg12: memref<1x64xf32, #tpu.memory_space<vmem>>, %arg13: memref<1024x64xf32, #tpu.memory_space<vmem>>) attributes {dimension_semantics = [], scalar_prefetch = 0 : i64, scratch_operands = 0 : i64, tpu.core_type = #tpu.core_type<tc>} {
    %get3A = arith.constant 0 : index
    %get3A_0 = arith.constant 0 : index
    %get3A_1 = vector.load %arg6[%get3A, %get3A_0] : memref<144x64xf32, #tpu.memory_space<vmem>>, vector<144x64xf32>
    %get3A_2 = arith.constant 0 : index
    %get3A_3 = arith.constant 0 : index
    %get3A_4 = vector.load %arg7[%get3A_2, %get3A_3] : memref<144x64xf32, #tpu.memory_space<vmem>>, vector<144x64xf32>
    %mul3A = arith.constant 7.812500e-03 : f32
    %mul3A_5 = vector.broadcast %mul3A : f32 to vector<144x64xf32>
    %mul3A_6 = arith.mulf %get3A_4, %mul3A_5 : vector<144x64xf32>
    %add3A = arith.addf %get3A_1, %mul3A_6 : vector<144x64xf32>
    %get3A_7 = arith.constant 0 : index
    %get3A_8 = arith.constant 0 : index
    %get3A_9 = vector.load %arg0[%get3A_7, %get3A_8] : memref<4096x128xf32, #tpu.memory_space<vmem>>, vector<4096x128xf32>
    %slice3A = vector.extract_strided_slice %get3A_9 {offsets = [0, 0], sizes = [4096, 64], strides = [1, 1]} : vector<4096x128xf32> to vector<4096x64xf32>
    %get3A_10 = arith.constant 0 : index
    %get3A_11 = arith.constant 0 : index
    %get3A_12 = vector.load %arg1[%get3A_10, %get3A_11] : memref<4096x128xf32, #tpu.memory_space<vmem>>, vector<4096x128xf32>
    %slice3A_13 = vector.extract_strided_slice %get3A_12 {offsets = [0, 0], sizes = [4096, 64], strides = [1, 1]} : vector<4096x128xf32> to vector<4096x64xf32>
    %slice3A_14 = vector.extract_strided_slice %add3A {offsets = [0, 0], sizes = [64, 64], strides = [1, 1]} : vector<144x64xf32> to vector<64x64xf32>
    %dot_general3A = arith.constant dense<0.000000e+00> : vector<4096x64xf32>
    %dot_general3A_15 = tpu.matmul %slice3A, %slice3A_14, %dot_general3A {dimension_numbers = #tpu.dot_dimension_numbers<[1], [0], [0], [1], [0, 0, 1, 1], [], []>, transpose_lhs_hint = false} : vector<4096x64xf32>, vector<64x64xf32>, vector<4096x64xf32> -> vector<4096x64xf32>
    %slice3A_16 = vector.extract_strided_slice %add3A {offsets = [64, 0], sizes = [64, 64], strides = [1, 1]} : vector<144x64xf32> to vector<64x64xf32>
    %dot_general3A_17 = arith.constant dense<0.000000e+00> : vector<4096x64xf32>
    %dot_general3A_18 = tpu.matmul %slice3A_13, %slice3A_16, %dot_general3A_17 {dimension_numbers = #tpu.dot_dimension_numbers<[1], [0], [0], [1], [0, 0, 1, 1], [], []>, transpose_lhs_hint = false} : vector<4096x64xf32>, vector<64x64xf32>, vector<4096x64xf32> -> vector<4096x64xf32>
    %add3A_19 = arith.addf %dot_general3A_15, %dot_general3A_18 : vector<4096x64xf32>
    %get3A_20 = arith.constant 0 : index
    %get3A_21 = arith.constant 0 : index
    %get3A_22 = vector.load %arg2[%get3A_20, %get3A_21] : memref<4096x64xf32, #tpu.memory_space<vmem>>, vector<4096x64xf32>
    %add3A_23 = arith.addf %add3A_19, %get3A_22 : vector<4096x64xf32>
    %ge3A = arith.constant 0.000000e+00 : f32
    %ge3A_24 = vector.broadcast %ge3A : f32 to vector<4096x64xf32>
    %ge3A_25 = arith.cmpf oge, %add3A_23, %ge3A_24 : vector<4096x64xf32>
    %mul3A_26 = arith.constant 0.00999999977 : f32
    %mul3A_27 = vector.broadcast %mul3A_26 : f32 to vector<4096x64xf32>
    %mul3A_28 = arith.mulf %mul3A_27, %add3A_23 : vector<4096x64xf32>
    %select_n3A = arith.select %ge3A_25, %add3A_23, %mul3A_28 : vector<4096x64xi1>, vector<4096x64xf32>
    %get3A_29 = arith.constant 0 : index
    %get3A_30 = arith.constant 0 : index
    %get3A_31 = vector.load %arg8[%get3A_29, %get3A_30] : memref<64x1xf32, #tpu.memory_space<vmem>>, vector<64x1xf32>
    %transpose3A = tpu.transpose %get3A_31, [1, 0] : vector<64x1xf32> -> vector<1x64xf32>
    %mul3A_32 = vector.broadcast %transpose3A : vector<1x64xf32> to vector<4096x64xf32>
    %mul3A_33 = arith.mulf %select_n3A, %mul3A_32 : vector<4096x64xf32>
    %reduce_sum3A = arith.constant dense<0.000000e+00> : vector<4096xf32>
    %reduce_sum3A_34 = vector.multi_reduction <add>, %mul3A_33, %reduce_sum3A [1] : vector<4096x64xf32> to vector<4096xf32>
    %broadcast_in_dim3A = vector.shape_cast %reduce_sum3A_34 : vector<4096xf32> to vector<4096x1xf32>
    %get3A_35 = arith.constant 0 : index
    %get3A_36 = arith.constant 0 : index
    %get3A_37 = vector.load %arg9[%get3A_35, %get3A_36] : memref<1x1xf32, #tpu.memory_space<vmem>>, vector<1x1xf32>
    %add3A_38 = vector.broadcast %get3A_37 : vector<1x1xf32> to vector<4096x1xf32>
    %add3A_39 = arith.addf %broadcast_in_dim3A, %add3A_38 : vector<4096x1xf32>
    %logistic3A = arith.negf %add3A_39 : vector<4096x1xf32>
    %logistic3A_40 = math.exp %logistic3A : vector<4096x1xf32>
    %logistic3A_41 = arith.constant 1.000000e+00 : f32
    %logistic3A_42 = vector.broadcast %logistic3A_41 : f32 to vector<4096x1xf32>
    %logistic3A_43 = arith.addf %logistic3A_42, %logistic3A_40 : vector<4096x1xf32>
    %logistic3A_44 = arith.divf %logistic3A_42, %logistic3A_43 : vector<4096x1xf32>
    %mul3A_45 = vector.broadcast %logistic3A_44 : vector<4096x1xf32> to vector<4096x64xf32>
    %mul3A_46 = arith.mulf %select_n3A, %mul3A_45 : vector<4096x64xf32>
    %get3A_47 = arith.constant 0 : index
    %get3A_48 = arith.constant 0 : index
    %get3A_49 = vector.load %arg4[%get3A_47, %get3A_48] : memref<512x128xf32, #tpu.memory_space<vmem>>, vector<512x128xf32>
    %get3A_50 = arith.constant 0 : index
    %get3A_51 = arith.constant 0 : index
    %get3A_52 = vector.load %arg5[%get3A_50, %get3A_51] : memref<1024x64xf32, #tpu.memory_space<vmem>>, vector<1024x64xf32>
    %transpose3A_53 = tpu.transpose %get3A_49, [1, 0] : vector<512x128xf32> -> vector<128x512xf32>
    %slice3A_54 = vector.extract_strided_slice %mul3A_46 {offsets = [0, 0], sizes = [512, 64], strides = [1, 1]} : vector<4096x64xf32> to vector<512x64xf32>
    %dot_general3A_55 = arith.constant dense<0.000000e+00> : vector<128x64xf32>
    %dot_general3A_56 = tpu.matmul %transpose3A_53, %slice3A_54, %dot_general3A_55 {dimension_numbers = #tpu.dot_dimension_numbers<[1], [0], [0], [1], [0, 0, 1, 1], [], []>, transpose_lhs_hint = false} : vector<128x512xf32>, vector<512x64xf32>, vector<128x64xf32> -> vector<128x64xf32>
    %transpose3A_57 = tpu.transpose %get3A_49, [1, 0] : vector<512x128xf32> -> vector<128x512xf32>
    %slice3A_58 = vector.extract_strided_slice %mul3A_46 {offsets = [512, 0], sizes = [512, 64], strides = [1, 1]} : vector<4096x64xf32> to vector<512x64xf32>
    %dot_general3A_59 = arith.constant dense<0.000000e+00> : vector<128x64xf32>
    %dot_general3A_60 = tpu.matmul %transpose3A_57, %slice3A_58, %dot_general3A_59 {dimension_numbers = #tpu.dot_dimension_numbers<[1], [0], [0], [1], [0, 0, 1, 1], [], []>, transpose_lhs_hint = false} : vector<128x512xf32>, vector<512x64xf32>, vector<128x64xf32> -> vector<128x64xf32>
    %transpose3A_61 = tpu.transpose %get3A_49, [1, 0] : vector<512x128xf32> -> vector<128x512xf32>
    %slice3A_62 = vector.extract_strided_slice %mul3A_46 {offsets = [1024, 0], sizes = [512, 64], strides = [1, 1]} : vector<4096x64xf32> to vector<512x64xf32>
    %dot_general3A_63 = arith.constant dense<0.000000e+00> : vector<128x64xf32>
    %dot_general3A_64 = tpu.matmul %transpose3A_61, %slice3A_62, %dot_general3A_63 {dimension_numbers = #tpu.dot_dimension_numbers<[1], [0], [0], [1], [0, 0, 1, 1], [], []>, transpose_lhs_hint = false} : vector<128x512xf32>, vector<512x64xf32>, vector<128x64xf32> -> vector<128x64xf32>
    %transpose3A_65 = tpu.transpose %get3A_49, [1, 0] : vector<512x128xf32> -> vector<128x512xf32>
    %slice3A_66 = vector.extract_strided_slice %mul3A_46 {offsets = [1536, 0], sizes = [512, 64], strides = [1, 1]} : vector<4096x64xf32> to vector<512x64xf32>
    %dot_general3A_67 = arith.constant dense<0.000000e+00> : vector<128x64xf32>
    %dot_general3A_68 = tpu.matmul %transpose3A_65, %slice3A_66, %dot_general3A_67 {dimension_numbers = #tpu.dot_dimension_numbers<[1], [0], [0], [1], [0, 0, 1, 1], [], []>, transpose_lhs_hint = false} : vector<128x512xf32>, vector<512x64xf32>, vector<128x64xf32> -> vector<128x64xf32>
    %transpose3A_69 = tpu.transpose %get3A_49, [1, 0] : vector<512x128xf32> -> vector<128x512xf32>
    %slice3A_70 = vector.extract_strided_slice %mul3A_46 {offsets = [2048, 0], sizes = [512, 64], strides = [1, 1]} : vector<4096x64xf32> to vector<512x64xf32>
    %dot_general3A_71 = arith.constant dense<0.000000e+00> : vector<128x64xf32>
    %dot_general3A_72 = tpu.matmul %transpose3A_69, %slice3A_70, %dot_general3A_71 {dimension_numbers = #tpu.dot_dimension_numbers<[1], [0], [0], [1], [0, 0, 1, 1], [], []>, transpose_lhs_hint = false} : vector<128x512xf32>, vector<512x64xf32>, vector<128x64xf32> -> vector<128x64xf32>
    %transpose3A_73 = tpu.transpose %get3A_49, [1, 0] : vector<512x128xf32> -> vector<128x512xf32>
    %slice3A_74 = vector.extract_strided_slice %mul3A_46 {offsets = [2560, 0], sizes = [512, 64], strides = [1, 1]} : vector<4096x64xf32> to vector<512x64xf32>
    %dot_general3A_75 = arith.constant dense<0.000000e+00> : vector<128x64xf32>
    %dot_general3A_76 = tpu.matmul %transpose3A_73, %slice3A_74, %dot_general3A_75 {dimension_numbers = #tpu.dot_dimension_numbers<[1], [0], [0], [1], [0, 0, 1, 1], [], []>, transpose_lhs_hint = false} : vector<128x512xf32>, vector<512x64xf32>, vector<128x64xf32> -> vector<128x64xf32>
    %transpose3A_77 = tpu.transpose %get3A_49, [1, 0] : vector<512x128xf32> -> vector<128x512xf32>
    %slice3A_78 = vector.extract_strided_slice %mul3A_46 {offsets = [3072, 0], sizes = [512, 64], strides = [1, 1]} : vector<4096x64xf32> to vector<512x64xf32>
    %dot_general3A_79 = arith.constant dense<0.000000e+00> : vector<128x64xf32>
    %dot_general3A_80 = tpu.matmul %transpose3A_77, %slice3A_78, %dot_general3A_79 {dimension_numbers = #tpu.dot_dimension_numbers<[1], [0], [0], [1], [0, 0, 1, 1], [], []>, transpose_lhs_hint = false} : vector<128x512xf32>, vector<512x64xf32>, vector<128x64xf32> -> vector<128x64xf32>
    %transpose3A_81 = tpu.transpose %get3A_49, [1, 0] : vector<512x128xf32> -> vector<128x512xf32>
    %slice3A_82 = vector.extract_strided_slice %mul3A_46 {offsets = [3584, 0], sizes = [512, 64], strides = [1, 1]} : vector<4096x64xf32> to vector<512x64xf32>
    %dot_general3A_83 = arith.constant dense<0.000000e+00> : vector<128x64xf32>
    %dot_general3A_84 = tpu.matmul %transpose3A_81, %slice3A_82, %dot_general3A_83 {dimension_numbers = #tpu.dot_dimension_numbers<[1], [0], [0], [1], [0, 0, 1, 1], [], []>, transpose_lhs_hint = false} : vector<128x512xf32>, vector<512x64xf32>, vector<128x64xf32> -> vector<128x64xf32>
    %concatenate3A = tpu.concatenate %dot_general3A_56, %dot_general3A_60, %dot_general3A_64, %dot_general3A_68, %dot_general3A_72, %dot_general3A_76, %dot_general3A_80, %dot_general3A_84 in 0 : vector<128x64xf32>, vector<128x64xf32>, vector<128x64xf32>, vector<128x64xf32>, vector<128x64xf32>, vector<128x64xf32>, vector<128x64xf32>, vector<128x64xf32> -> vector<1024x64xf32>
    %get3A_85 = arith.constant 0 : index
    %get3A_86 = arith.constant 0 : index
    %get3A_87 = vector.load %arg3[%get3A_85, %get3A_86] : memref<1024x128xf32, #tpu.memory_space<vmem>>, vector<1024x128xf32>
    %get3A_88 = arith.constant 64 : index
    %get3A_89 = arith.constant 0 : index
    %get3A_90 = vector.load %arg10[%get3A_88, %get3A_89] : memref<128x128xf32, #tpu.memory_space<vmem>>, vector<64x128xf32>
    %dot_general3A_91 = arith.constant dense<0.000000e+00> : vector<1024x128xf32>
    %dot_general3A_92 = tpu.matmul %concatenate3A, %get3A_90, %dot_general3A_91 {dimension_numbers = #tpu.dot_dimension_numbers<[1], [0], [0], [1], [0, 0, 1, 1], [], []>, transpose_lhs_hint = false} : vector<1024x64xf32>, vector<64x128xf32>, vector<1024x128xf32> -> vector<1024x128xf32>
    %add3A_93 = arith.addf %get3A_87, %dot_general3A_92 : vector<1024x128xf32>
    %ge3A_94 = arith.constant 0.000000e+00 : f32
    %ge3A_95 = vector.broadcast %ge3A_94 : f32 to vector<1024x128xf32>
    %ge3A_96 = arith.cmpf oge, %add3A_93, %ge3A_95 : vector<1024x128xf32>
    %mul3A_97 = arith.constant 0.00999999977 : f32
    %mul3A_98 = vector.broadcast %mul3A_97 : f32 to vector<1024x128xf32>
    %mul3A_99 = arith.mulf %mul3A_98, %add3A_93 : vector<1024x128xf32>
    %select_n3A_100 = arith.select %ge3A_96, %add3A_93, %mul3A_99 : vector<1024x128xi1>, vector<1024x128xf32>
    %get3A_101 = arith.constant 0 : index
    %get3A_102 = arith.constant 0 : index
    %get3A_103 = vector.load %arg11[%get3A_101, %get3A_102] : memref<128x64xf32, #tpu.memory_space<vmem>>, vector<128x64xf32>
    %dot_general3A_104 = arith.constant dense<0.000000e+00> : vector<1024x64xf32>
    %dot_general3A_105 = tpu.matmul %select_n3A_100, %get3A_103, %dot_general3A_104 {dimension_numbers = #tpu.dot_dimension_numbers<[1], [0], [0], [1], [0, 0, 1, 1], [], []>, transpose_lhs_hint = false} : vector<1024x128xf32>, vector<128x64xf32>, vector<1024x64xf32> -> vector<1024x64xf32>
    %get3A_106 = arith.constant 0 : index
    %get3A_107 = arith.constant 0 : index
    %get3A_108 = vector.load %arg12[%get3A_106, %get3A_107] : memref<1x64xf32, #tpu.memory_space<vmem>>, vector<1x64xf32>
    %add3A_109 = vector.broadcast %get3A_108 : vector<1x64xf32> to vector<1024x64xf32>
    %add3A_110 = arith.addf %dot_general3A_105, %add3A_109 : vector<1024x64xf32>
    %ge3A_111 = arith.constant 0.000000e+00 : f32
    %ge3A_112 = vector.broadcast %ge3A_111 : f32 to vector<1024x64xf32>
    %ge3A_113 = arith.cmpf oge, %add3A_110, %ge3A_112 : vector<1024x64xf32>
    %mul3A_114 = arith.constant 0.00999999977 : f32
    %mul3A_115 = vector.broadcast %mul3A_114 : f32 to vector<1024x64xf32>
    %mul3A_116 = arith.mulf %mul3A_115, %add3A_110 : vector<1024x64xf32>
    %select_n3A_117 = arith.select %ge3A_113, %add3A_110, %mul3A_116 : vector<1024x64xi1>, vector<1024x64xf32>
    %add3A_118 = arith.addf %get3A_52, %select_n3A_117 : vector<1024x64xf32>
    %swap3A = arith.constant 0 : index
    %swap3A_119 = arith.constant 0 : index
    %swap3A_120 = vector.load %arg13[%swap3A, %swap3A_119] : memref<1024x64xf32, #tpu.memory_space<vmem>>, vector<1024x64xf32>
    tpu.vector_store %arg13[%swap3A, %swap3A_119], %add3A_118 {strides = array<i32>} : memref<1024x64xf32, #tpu.memory_space<vmem>>, vector<1024x64xf32>,
    return
  }
}

</mosaic_0001>

<sc_bundles>
// kernel: kernel.5.cloned.1.call-start
scs
__scs_entry_jumppad:
0x0: {  	(pc) =	sbr.rel $0x88, $3  }
0x1: {  	(tag) =	ssettag $0x0;
	lr =	simm.s32 $0x1  }
0x2: {  	[smem:$0x3F93] =	sst lr;
	_ =	strace $0xD0000000  }
0x3: {  	_ = 	snop  }
0x4: {  	_ = 	snop  }
0x5: {  	_ = 	snop  }
0x6: {  	_ = 	snop  }
0x7: {  	_ = 	snop  }
__scs_overlays_trampoline_lowered:
0x8: {  	[smem:$0x3FA2] =	sst s0  }
0x9: {  	[smem:$0x3FA3] =	sst s1  }
0xa: {  	[smem:$0x3FA4] =	sst s2  }
0xb: {  	[smem:$0x3FA5] =	sst s3  }
0xc: {  	[smem:$0x3FA6] =	sst s4  }
0xd: {  	[smem:$0x3FA7] =	sst s5  }
0xe: {  	[smem:$0x3FA8] =	sst s6  }
0xf: {  	[smem:$0x3FA9] =	sst s7  }
0x10: {  	[smem:$0x3FAA] =	sst s8  }
0x11: {  	[smem:$0x3FAB] =	sst s9;
	s0 =	simm.s32 @!p0 $0x0  }
0x12: {  	s1 =	sld [smem:$0x3F91];
	s0 =	simm.s32 @p0 $0x1  }
0x13: {  	[smem:$0x3FAC] =	sst s0;
	s0 =	simm.s32 @!p1 $0x0  }
0x14: {  	s2 =	sld [smem:$0x3F90];
	s0 =	simm.s32 @p1 $0x1  }
0x15: {  	[smem:$0x3FAD] =	sst s0;
	s0 =	simm.s32 @!p2 $0x0  }
0x16: {  	s3 =	sld [smem:$0x3FDB];
	s0 =	simm.s32 @p2 $0x1  }
0x17: {  	s4 =	simm.s32 $0x1BF5;
	[smem:$0x3FAF] =	sst s0  }
0x18: {  	s0 =	sld [smem:$0x3F92];
	_ =	swait.ge [sflag:s4], $0x0  }
0x19: {  	s7 =	sld [smem:$0x3F93]  }
0x1a: {  	s8 =	sadd.s32 $0xFFFFE003, lr  }
0x1b: {  	s9 =	sadd.s32 $0xFFFFFEF7, lr;
	s5 =	simm.s32 $0xFFFFFFFF;
	p2 =	slt.u32 s8, $0xFFFFF086  }
0x1c: {  	p1 =	slt.u32 s9, $0xF7A;
	s5 =	simm.s32 @!p2 $0x0  }
0x1d: {  	s5 =	simm.s32 @p1 $0x1;
	p0 =	seq.s32 s7, s2  }
0x1e: {  	s7 =	smul.u32 @!p0 $0xF7A, s2;
	p2 =	seq.s32 @!p0 s5, $0x0  }
0x1f: {  	s9 =	smul.u32 $0xF7A, s1;
	s8 =	simm.s32 @!p0 $0x1BF5;
	p2 =	por !p2, p0  }
0x20: {  	[sflag:s8] =	ssyncset.s32 @!p0 $0xFFFFF086;
	s6 =	sadd.s32 @!p0 s3, s7;
	s7 =	simm.s32 @!p0 $0x108  }
0x21: {  	s3 =	sadd.s32 s3, s9;
	s6 =	sadd.s32 @!p0 $0x88, s6;
	s7 =	simm.s32 @p2 $0x1082  }
0x22: {  	[simem:s7], [sflag:s8] =	dma.local @!p0 [hbm:s6], $0xF7A  }
0x23: {  	s9 =	sor.u32 $0xD0000000, s2;
	s6 =	simm.s32 $0x108;
	_ =	swait.ge @!p0 [sflag:s8], $0x0  }
0x24: {  	s3 =	sadd.s32 $0x88, s3;
	s6 =	simm.s32 @!p1 $0x1082;
	[sflag:s4] =	ssyncset.s32 $0xFFFFF086  }
0x25: {  	[simem:s6], [sflag:s4] =	dma.local [hbm:s3], $0xF7A  }
0x26: {  	[smem:$0x3F93] =	sst s1;
	(tag) =	ssettag s2;
	_ =	strace s9  }
0x27: {  	s1 =	sld [smem:$0x3FA3]  }
0x28: {  	s2 =	sld [smem:$0x3FA4]  }
0x29: {  	s4 =	sld [smem:$0x3FA6]  }
0x2a: {  	p0 =	seq.s32 s5, $0x0;
	s5 =	sld [smem:$0x3FA7]  }
0x2b: {  	s6 =	sld [smem:$0x3FA8]  }
0x2c: {  	s7 =	sld [smem:$0x3FA9]  }
0x2d: {  	s3 =	simm.s32 $0x108;
	s8 =	sld [smem:$0x3FAA]  }
0x2e: {  	s3 =	simm.s32 @!p0 $0x1082;
	s9 =	sld [smem:$0x3FAB]  }
0x2f: {  	lr =	sadd.s32 s0, s3;
	s0 =	sld [smem:$0x3FA2]  }
0x30: {  	s3 =	sld [smem:$0x3FA5]  }
0x31: {  	[smem:$0x3FAE] =	sst s10  }
0x32: {  	s10 =	sld [smem:$0x3FAC];
	_ =	sdelay $0x3  }
0x33: {  	p0 =	seq.s32 s10, $0x1;
	s10 =	sld [smem:$0x3FAE];
	_ =	sdelay $0x3  }
0x34: {  	[smem:$0x3FAE] =	sst s10  }
0x35: {  	s10 =	sld [smem:$0x3FAD];
	_ =	sdelay $0x3  }
0x36: {  	p1 =	seq.s32 s10, $0x1;
	s10 =	sld [smem:$0x3FAE];
	_ =	sdelay $0x3  }
0x37: {  	[smem:$0x3FAE] =	sst s10  }
0x38: {  	s10 =	sld [smem:$0x3FAF]  }
0x39: {  	_ = 	snop;
	(pc) =	sbr.ind lr, $3  }
0x3a: {  	_ = 	snop  }
0x3b: {  	_ = 	snop  }
0x3c: {  	p2 =	seq.s32 s10, $0x1;
	s10 =	sld [smem:$0x3FAE]  }
0x3d: {  	_ =	shalt  }
0x3e: {  	_ =	shalt  }
0x3f: {  	_ =	shalt  }
0x40: {  	_ =	shalt  }
0x41: {  	_ =	shalt  }
0x42: {  	_ =	shalt  }
0x43: {  	_ =	shalt  }
0x44: {  	_ =	shalt  }
0x45: {  	_ =	shalt  }
0x46: {  	_ =	shalt  }
0x47: {  	_ =	shalt  }
0x48: {  	_ =	shalt  }
0x49: {  	_ =	shalt  }
0x4a: {  	_ =	shalt  }
0x4b: {  	_ =	shalt  }
0x4c: {  	_ =	shalt  }
0x4d: {  	_ =	shalt  }
0x4e: {  	_ =	shalt  }
0x4f: {  	_ =	shalt  }
0x50: {  	_ =	shalt  }
0x51: {  	_ =	shalt  }
0x52: {  	_ =	shalt  }
0x53: {  	_ =	shalt  }
0x54: {  	_ =	shalt  }
0x55: {  	_ =	shalt  }
0x56: {  	_ =	shalt  }
0x57: {  	_ =	shalt  }
0x58: {  	_ =	shalt  }
0x59: {  	_ =	shalt  }
0x5a: {  	_ =	shalt  }
0x5b: {  	_ =	shalt  }
0x5c: {  	_ =	shalt  }
0x5d: {  	_ =	shalt  }
0x5e: {  	_ =	shalt  }
0x5f: {  	_ =	shalt  }
0x60: {  	_ =	shalt  }
0x61: {  	_ =	shalt  }
0x62: {  	_ =	shalt  }
0x63: {  	_ =	shalt  }
0x64: {  	_ =	shalt  }
0x65: {  	_ =	shalt  }
0x66: {  	_ =	shalt  }
0x67: {  	_ =	shalt  }
0x68: {  	_ =	shalt  }
0x69: {  	_ =	shalt  }
0x6a: {  	_ =	shalt  }
0x6b: {  	_ =	shalt  }
0x6c: {  	_ =	shalt  }
0x6d: {  	_ =	shalt  }
0x6e: {  	_ =	shalt  }
0x6f: {  	_ =	shalt  }
0x70: {  	_ =	shalt  }
0x71: {  	_ =	shalt  }
0x72: {  	_ =	shalt  }
0x73: {  	_ =	shalt  }
0x74: {  	_ =	shalt  }
0x75: {  	_ =	shalt  }
0x76: {  	_ =	shalt  }
0x77: {  	_ =	shalt  }
0x78: {  	_ =	shalt  }
0x79: {  	_ =	shalt  }
0x7a: {  	_ =	shalt  }
0x7b: {  	_ =	shalt  }
0x7c: {  	_ =	shalt  }
0x7d: {  	_ =	shalt  }
0x7e: {  	_ =	shalt  }
0x7f: {  	_ =	shalt  }
0x80: {  	_ =	shalt  }
0x81: {  	_ =	shalt  }
0x82: {  	_ =	shalt  }
0x83: {  	_ =	shalt  }
0x84: {  	_ =	shalt  }
0x85: {  	_ =	shalt  }
0x86: {  	_ =	shalt  }
0x87: {  	_ =	shalt  }
.Lfunc_end0:
.L_simem_size_0:
called_computation_lowered:
.L_overlay_start_0:
0x88: {  	s2 =	sld [smem:$0x3FD9]  }
0x89: {  	s3 =	sld [smem:$0x3FFE];
	_ =	sdelay $0x1  }
0x8a: {  	s1 =	srdreg.scid  }
0x8b: {  	s0 =	sand.u32 $0x1, s1  }
0x8c: {  	s17 =	sshll.u32 s0, $0xA;
	s2 =	sadd.s32 s3, s2  }
0x8d: {  	s2 =	sadd.s32 s2, s17  }
0x8e: {  	[smem:$0x3FBA] =	sst s2  }
0x8f: {  	_ = 	snop  }
0x90: {  	s2 =	sld [smem:$0x3FC7]  }
0x91: {  	s18 =	sld [smem:$0x3FC6];
	(tm) =	ssettm $0x1  }
0x92: {  	s4 =	sld [smem:$0x3FFB];
	_ =	sdelay $0x3  }
0x93: {  	_ =	strace s4  }
0x94: {  	s4 =	sld [smem:$0x3FFC];
	_ =	sdelay $0x3  }
0x95: {  	_ =	strace s4  }
0x96: {  	s4 =	sld [smem:$0x3FFD];
	_ =	sdelay $0x3  }
0x97: {  	_ =	strace s4  }
0x98: {  	_ =	strace $0x8FFFFFFF  }
0x99: {  	s19 =	sld [smem:$0x3FDB];
	_ =	sdelay $0x1  }
0x9a: {  	s5 =	simm.s32 $_scs_section_size  }
0x9b: {  	s6 =	simm.s32 $_size__tile_overlayer_lowered;
	s7 =	simm.s32 $_tile_overlayer_lowered  }
0x9c: {  	s22 =	simm.s32 $0x1BFF;
	s21 =	sshll.u32 s7, $0x1;
	s4 =	sadd.s32 s5, s19  }
0x9d: {  	s8 =	simm.s32 $0x0;
	s20 =	sshll.u32 s6, $0x1;
	s6 =	sadd.s32 s21, s4  }
0x9e: {  	[timem:s8], [sflag:s22] =	dma.local [hbm:s6], s20  }
0x9f: {  	_ =	swait.ge [sflag:s22], s20  }
0xa0: {  	s5 =	ssub.s32 $0x0, s20;
	[sflag:s22] =	ssyncset.done $0x0  }
0xa1: {  	[sflag:s22] =	ssyncadd.s32 s5;
	_ =	sdelay $0x1  }
0xa2: {  	s23 =	simm.s32 $0x1B8B  }
0xa3: {  	_ =	swait.ge [sflag:s23], $0x1  }
0xa4: {  	[sflag:s23] =	ssyncset.done $0x0  }
0xa5: {  	s25 =	simm.s32 $0x1B8E;
	s24 =	sld [smem:$0x3FFE];
	[sflag:s23] =	ssyncadd.s32 $0xFFFFFFFF  }
0xa6: {  	s26 =	simm.s32 $execute0_lowered;
	[smem:$0x3FD2] =	sst s25  }
0xa7: {  	s6 =	sshll.u32 s26, $0x1;
	_ =	strace $0x80000046;
	[dreg:$0x1] =	wrdreg $0xFFFFFFFF  }
0xa8: {  	s28 =	simm.s32 $_size_execute0_lowered;
	s4 =	sadd.s32 s4, s6;
	[dreg:$0x0] =	wrdreg $0x0  }
0xa9: {  	s6 =	sshll.u32 s28, $0x1;
	[dreg:$0x2] =	wrdreg s4  }
0xaa: {  	[dreg:$0x3] =	wrdreg s6  }
0xab: {  	[dreg:$0x4] =	wrdreg $0xC0  }
0xac: {  	_ =	task [dreg:s8], $0x5FFFF  }
0xad: {  	[dreg:$0x1] =	wrdreg $0xFFFFFFFF  }
0xae: {  	[dreg:$0x0] =	wrdreg $0x60  }
0xaf: {  	[dreg:$0x2] =	wrdreg s24  }
0xb0: {  	[dreg:$0x3] =	wrdreg s2  }
0xb1: {  	[dreg:$0x4] =	wrdreg s18  }
0xb2: {  	[dreg:$0x5] =	wrdreg $0x9  }
0xb3: {  	_ =	task.clear_ibuf [dreg:s8], $0x6FFFF;
	_ =	strace $0x90000046  }
0xb4: {  	s29 =	simm.s32 $0x9;
	_ =	strace $0x80000048  }
0xb5: {  	_ =	swait.ge [sflag:s29], $0x1  }
0xb6: {  	[sflag:s29] =	ssyncadd.s32 $0xFFFFFFFF  }
0xb7: {  	_ =	strace $0x90000048  }
0xb8: {  	_ =	sfence  }
0xb9: {  	s30 =	sld [smem:$0x0];
	_ =	sdelay $0x2  }
0xba: {  	s31 =	sshll.u32 s1, $0xD;
	s1 =	sshrl.u32 s1, $0x2  }
0xbb: {  	s3 =	sand.u32 $0x4000, s31;
	s1 =	sadd.s32 s1, s30  }
0xbc: {  	s0 =	sor.u32 s3, s0;
	s1 =	sshll.u32 s1, $0x11  }
0xbd: {  	s0 =	sor.u32 s1, s0  }
0xbe: {  	s0 =	sadd.s32 $0x8F2B, s0  }
0xbf: {  	[sflag:s0] =	ssyncadd.remote.s32 $0x1  }
0xc0: {  	_ =	sfence.sel $0xFFFF  }
0xc1: {  	[dreg:$0x0] =	wrdreg $0xFFFFFFFF;
	(pc) =	sbr.abs _section_cstart, $3  }
0xc2: {  	[dreg:$0x1] =	wrdreg $0xFFFFFFFF  }
0xc3: {  	_ =	task.clear_ibuf [dreg:s8], $0x2FFFF;
	_ =	strace $0x9FFFFFFF  }
0xc4: {  	(tm) =	ssettm $0x7FFFFFFF  }
0xc5: {  	_ =	shalt  }
tec
execute0_lowered:
.L_overlay_start_1:
0x0: {  	(tag) =	ssettag $0x1  }
0x1: {  	s1 =	srdreg.scid  }
0x2: {  	s0 =	stileid.u32;
	s8 =	sand.u32 $0x1, s1  }
0x3: {  	s9 =	rddreg [dreg:$0x0];
	s30 =	sshll.u32 s0, $0x8;
	s2 =	sshll.u32 s8, $0x7  }
0x4: {  	s3 =	rddreg [dreg:$0x1];
	s10 =	sor.u32 s2, s30  }
0x5: {  	s4 =	rddreg [dreg:$0x2];
	s2 =	simm.s32 $0x0;
	s5 =	sshrl.u32 s10, $0x3  }
0x6: {  	[smem:$0x7FF] =	sst s2;
	s6 =	sand.u32 $0x30, s5  }
0x7: {  	s1 =	rddreg [dreg:$0x3];
	_ =	strace $0x80000047;
	s5 =	sadd.s32 s3, s6  }
0x8: {  	[tilespmem:s2], [sflag:$0x1] =	stream.linear.gather [hbm4b:s5+s2], $0x80, $0x38;
	[tilespmem:$0x8100] =	vst v63  }
0x9: {  	s7 =	sadd.s32 s4, s6;
	s6 =	simm.s32 $0x80;
	s3 =	simm.s32 $0x1  }
0xa: {  	[tilespmem:s6], [sflag:$0x2] =	stream.linear.gather [hbm4b:s7+s2], $0x80, $0x38;
	[tilespmem:$0x8100] =	vst v63  }
0xb: {  	_ =	swait.ge [sflag:s3], $0x80  }
0xc: {  	[sflag:s3] =	ssyncset.done $0x0  }
0xd: {  	s4 =	simm.s32 $0x2;
	[sflag:s3] =	ssyncadd.s32 $0xFFFFFF80  }
0xe: {  	_ =	swait.ge [sflag:s4], $0x80  }
0xf: {  	[sflag:s4] =	ssyncset.done $0x0  }
0x10: {  	[sflag:s4] =	ssyncadd.s32 $0xFFFFFF80  }
0x11: {  	v1 =	vld [tilespmem:$0xF0]  }
0x12: {  	v2 =	vld [tilespmem:$0x90]  }
0x13: {  	v3 =	vld [tilespmem:$0x70]  }
0x14: {  	s11 =	sshll.u32 s0, $0x6;
	v4 =	vld [tilespmem:$0x60]  }
0x15: {  	s11 =	sand.u32 $0x380, s11;
	v5 =	vld [tilespmem:$0xD0]  }
0x16: {  	v0 =	vmov s11;
	v6 =	vld [tilespmem:$0x50]  }
0x17: {  	v1 =	vadd.s32 v0, v1  }
0x18: {  	v7 =	vld [tilespmem:$0xC0];
	v2 =	vadd.s32 v0, v2;
	[tilespmem:$0xF0] =	vst v1  }
0x19: {  	v62 =	vld [tilespmem:$0x10];
	v4 =	vadd.s32 v0, v4;
	[tilespmem:$0x90] =	vst v2  }
0x1a: {  	v5 =	vadd.s32 v0, v5;
	v1 =	vld [tilespmem:$0x40];
	[tilespmem:$0x60] =	vst v4  }
0x1b: {  	v6 =	vadd.s32 v0, v6;
	v2 =	vadd.s32 v0, v3;
	v3 =	vld [tilespmem:$0xB0];
	[tilespmem:$0xD0] =	vst v5  }
0x1c: {  	v59 =	vld [tilespmem:$0xA0];
	[tilespmem:$0x50] =	vst v6  }
0x1d: {  	v7 =	vadd.s32 v0, v7;
	[tilespmem:$0x70] =	vst v2;
	v2 =	vld [tilespmem:$0x30]  }
0x1e: {  	v60 =	vld [tilespmem:$0x20];
	v63 =	vadd.s32 v0, v62;
	[tilespmem:$0xC0] =	vst v7  }
0x1f: {  	s31 =	ssub.s32 $0x2, s8;
	v61 =	vld [tilespmem:$0xE0];
	[tilespmem:$0x10] =	vst v63;
	v1 =	vadd.s32 v0, v1  }
0x20: {  	s12 =	sshrl.u32 s31, $0x1;
	v3 =	vadd.s32 v0, v3;
	[tilespmem:$0x40] =	vst v1;
	v1 =	vld [tilespmem:$0x80]  }
0x21: {  	s11 =	ssub.s32 s31, s12;
	v4 =	vadd.s32 v0, v59;
	[tilespmem:$0xB0] =	vst v3;
	v3 =	vld [tilespmem:$0x0]  }
0x22: {  	s13 =	smax.u32 s11, $0x1;
	[tilespmem:$0xA0] =	vst v4;
	v2 =	vadd.s32 v0, v2  }
0x23: {  	p0 =	sne.s32 s13, $0x1;
	[tilespmem:$0x30] =	vst v2;
	v2 =	vadd.s32 v0, v60  }
.Ltmp0:
0x24: {  	[tilespmem:$0x20] =	vst v2;
	v2 =	vadd.s32 v0, v61;
	(pc) =	sbr.rel @!p0 .LBB2_2-.Ltmp0, $4  }
0x25: {  	s8 =	sadd.s32 $0x2200, s9;
	s10 =	sshll.u32 s10, $0x4;
	[tilespmem:$0xE0] =	vst v2;
	v1 =	vadd.s32 v0, v1  }
0x26: {  	s10 =	sadd.s32 s10, s9;
	s9 =	simm.s32 $0x100;
	s11 =	simm.s32 $0x4100;
	v2 =	vadd.s32 v0, v3;
	[tilespmem:$0x80] =	vst v1  }
0x27: {  	s12 =	sadd.s32 $0x6200, s10;
	s10 =	sadd.s32 $0x16200, s10;
	s13 =	sadd.s32 $0xFFFFFFFF, s13;
	[tilespmem:$0x0] =	vst v2  }
0x28: {  	[tilespmem:s9], [sflag:$0x1] =	stream.indirect.gather [hbm4b:s8+s6], $0x80, s2, s6, $0xb8;
	[tilespmem:$0x8100] =	vst v63  }
.LBB2_1:
0x29: {  	p0 =	sne.s32 s13, $0x1;
	s13 =	sadd.s32 $0xFFFFFFFF, s13  }
0x2a: {  	[tilespmem:s11], [sflag:$0x2] =	stream.indirect.gather [hbm4b:s8+s6], $0x80, s6, s6, $0xb8;
	[tilespmem:$0x8100] =	vst v63  }
0x2b: {  	_ =	swait.ge [sflag:s3], $0x4000  }
0x2c: {  	[sflag:s3] =	ssyncset.done $0x0  }
0x2d: {  	[sflag:s3] =	ssyncadd.s32 $0xFFFFC000  }
0x2e: {  	[hbm4b:s12+s2] =	stream.linear.scatter [tilespmem:s9], [sflag:$0x1], $0x4000, $0x38;
	[tilespmem:$0x8100] =	vst v63  }
0x2f: {  	_ =	swait.ge [sflag:s4], $0x4000  }
0x30: {  	[sflag:s4] =	ssyncset.done $0x0  }
0x31: {  	[sflag:s4] =	ssyncadd.s32 $0xFFFFC000  }
0x32: {  	[hbm4b:s10+s2] =	stream.linear.scatter [tilespmem:s11], [sflag:$0x2], $0x4000, $0x38;
	[tilespmem:$0x8100] =	vst v63  }
0x33: {  	_ =	swait.ge [sflag:s3], $0x4000  }
0x34: {  	[sflag:s3] =	ssyncset.done $0x0  }
0x35: {  	[sflag:s3] =	ssyncadd.s32 $0xFFFFC000  }
0x36: {  	_ =	swait.ge [sflag:s4], $0x4000  }
0x37: {  	[sflag:s4] =	ssyncset.done $0x0  }
0x38: {  	[sflag:s4] =	ssyncadd.s32 $0xFFFFC000  }
0x39: {  	[tilespmem:s2], [sflag:$0x1] =	stream.linear.gather [hbm4b:s5+s2], $0x80, $0x38;
	[tilespmem:$0x8100] =	vst v63  }
0x3a: {  	_ = 	snop  }
0x3b: {  	[tilespmem:s6], [sflag:$0x2] =	stream.linear.gather [hbm4b:s7+s2], $0x80, $0x38;
	[tilespmem:$0x8100] =	vst v63  }
0x3c: {  	_ =	swait.ge [sflag:s3], $0x80  }
0x3d: {  	[sflag:s3] =	ssyncset.done $0x0  }
0x3e: {  	[sflag:s3] =	ssyncadd.s32 $0xFFFFFF80  }
0x3f: {  	_ =	swait.ge [sflag:s4], $0x80  }
0x40: {  	[sflag:s4] =	ssyncset.done $0x0  }
0x41: {  	[sflag:s4] =	ssyncadd.s32 $0xFFFFFF80  }
0x42: {  	v1 =	vld [tilespmem:$0xF0]  }
0x43: {  	v2 =	vld [tilespmem:$0x90]  }
0x44: {  	v3 =	vld [tilespmem:$0x70]  }
0x45: {  	v4 =	vld [tilespmem:$0x60]  }
0x46: {  	v5 =	vld [tilespmem:$0xD0]  }
0x47: {  	v6 =	vld [tilespmem:$0x50];
	v1 =	vadd.s32 v0, v1  }
0x48: {  	v2 =	vadd.s32 v0, v2;
	v7 =	vld [tilespmem:$0xC0];
	[tilespmem:$0xF0] =	vst v1  }
0x49: {  	[tilespmem:$0x90] =	vst v2;
	v1 =	vld [tilespmem:$0x40];
	v2 =	vadd.s32 v0, v3  }
0x4a: {  	v3 =	vld [tilespmem:$0xB0];
	v4 =	vadd.s32 v0, v4;
	[tilespmem:$0x70] =	vst v2  }
0x4b: {  	v2 =	vld [tilespmem:$0x30];
	v5 =	vadd.s32 v0, v5;
	[tilespmem:$0x60] =	vst v4  }
0x4c: {  	v4 =	vld [tilespmem:$0xA0];
	v6 =	vadd.s32 v0, v6;
	[tilespmem:$0xD0] =	vst v5  }
0x4d: {  	v5 =	vld [tilespmem:$0x20];
	v7 =	vadd.s32 v0, v7;
	[tilespmem:$0x50] =	vst v6  }
0x4e: {  	v1 =	vadd.s32 v0, v1;
	[tilespmem:$0xC0] =	vst v7;
	v6 =	vld [tilespmem:$0xE0]  }
0x4f: {  	v7 =	vld [tilespmem:$0x10];
	v3 =	vadd.s32 v0, v3;
	[tilespmem:$0x40] =	vst v1  }
0x50: {  	v1 =	vld [tilespmem:$0x80];
	v2 =	vadd.s32 v0, v2;
	[tilespmem:$0xB0] =	vst v3  }
0x51: {  	v3 =	vld [tilespmem:$0x0];
	v4 =	vadd.s32 v0, v4;
	[tilespmem:$0x30] =	vst v2  }
0x52: {  	v2 =	vadd.s32 v0, v5;
	[tilespmem:$0xA0] =	vst v4  }
0x53: {  	[tilespmem:$0x20] =	vst v2;
	v2 =	vadd.s32 v0, v6  }
.Ltmp1:
0x54: {  	v4 =	vadd.s32 v0, v7;
	[tilespmem:$0xE0] =	vst v2;
	(pc) =	sbr.rel @p0 .LBB2_1-.Ltmp1, $4  }
0x55: {  	v1 =	vadd.s32 v0, v1;
	[tilespmem:$0x10] =	vst v4  }
0x56: {  	v2 =	vadd.s32 v0, v3;
	[tilespmem:$0x80] =	vst v1  }
0x57: {  	[tilespmem:$0x0] =	vst v2  }
0x58: {  	[tilespmem:s9], [sflag:$0x1] =	stream.indirect.gather [hbm4b:s8+s6], $0x80, s2, s6, $0xb8;
	[tilespmem:$0x8100] =	vst v63  }
.LBB2_2:
0x59: {  	[tilespmem:s11], [sflag:$0x2] =	stream.indirect.gather [hbm4b:s8+s6], $0x80, s6, s6, $0xb8;
	[tilespmem:$0x8100] =	vst v63  }
0x5a: {  	_ =	swait.ge [sflag:s3], $0x4000  }
0x5b: {  	[sflag:s3] =	ssyncset.done $0x0  }
0x5c: {  	[sflag:s3] =	ssyncadd.s32 $0xFFFFC000  }
0x5d: {  	[hbm4b:s12+s2] =	stream.linear.scatter [tilespmem:s9], [sflag:$0x1], $0x4000, $0x38;
	[tilespmem:$0x8100] =	vst v63  }
0x5e: {  	_ =	swait.ge [sflag:s4], $0x4000  }
0x5f: {  	[sflag:s4] =	ssyncset.done $0x0  }
0x60: {  	[sflag:s4] =	ssyncadd.s32 $0xFFFFC000  }
0x61: {  	[hbm4b:s10+s2] =	stream.linear.scatter [tilespmem:s11], [sflag:$0x2], $0x4000, $0x38;
	[tilespmem:$0x8100] =	vst v63  }
0x62: {  	_ =	swait.ge [sflag:s3], $0x4000  }
0x63: {  	[sflag:s3] =	ssyncset.done $0x0  }
0x64: {  	[sflag:s3] =	ssyncadd.s32 $0xFFFFC000  }
0x65: {  	_ =	swait.ge [sflag:s4], $0x4000  }
0x66: {  	[sflag:s4] =	ssyncset.done $0x0  }
0x67: {  	[sflag:s4] =	ssyncadd.s32 $0xFFFFC000  }
0x68: {  	_ =	sfence.sel $0x180000  }
0x69: {  	[bflag:$0x0] =	sbarrier.arrive $0xFFFF  }
0x6a: {  	p0 =	sne.s32 s0, $0x0;
	_ =	strace $0x90000047  }
0x6b: {  	s0 =	sadd.s32 @!p0 $0x100000, s1;
	[bflag:$0x2] =	sbarrier.arrive $0xFFFF  }
0x6c: {  	[sflag:s0] =	ssyncadd.tile.s32 @!p0 $0x1;
	_ =	shalt  }
.Lfunc_end2:
_tile_overlayer_lowered:
.L_overlay_start_2:
0x6d: {  	(tag) =	ssettag $0x2  }
0x6e: {  	s0 =	rddreg [dreg:$0x0];
	s2 =	stileid.u32  }
0x6f: {  	s1 =	rddreg [dreg:$0x1];
	p0 =	sne.s32 s2, $0x0  }
0x70: {  	s3 =	rddreg [dreg:$0x2];
	[bflag:$0x3] =	sbarrier.arrive $0xFFFF;
	s2 =	simm.s32 @!p0 $0x1C03  }
0x71: {  	[timem:s3], [sflag:s2] =	dma.local @!p0 [hbm:s0], s1  }
0x72: {  	s0 =	simm.s32 @!p0 $0x3  }
0x73: {  	_ =	swait.ge @!p0 [sflag:s0], s1  }
0x74: {  	s1 =	ssub.s32 @!p0 $0x0, s1;
	[sflag:s0] =	ssyncset.done @!p0 $0x0  }
0x75: {  	[sflag:s0] =	ssyncadd.s32 @!p0 s1  }
0x76: {  	[bflag:$0x3] =	sbarrier.arrive $0xFFFF  }
0x77: {  	_ =	shalt  }

</sc_bundles>
